<compile_context>
chip_gen: v7x
topology: tpu7x:2x2x1
jax: 0.10.2.dev20260603
libtpu: 0.0.44.dev20260713+nightly
codegen_flags: <defaults>
</compile_context>

<pallas_src>
import functools

import jax
import jax.numpy as jnp
from jax.experimental import pallas as pl
from jax.experimental.pallas import tpu as pltpu
from jax.experimental.pallas import tpu_sc as plsc
from jax import lax


_NUM_WORKERS = 32
_CHUNK_ROWS = 64


def _make_sc_copy(batch, max_pos, d_model):
    rows_per_w = max_pos // _NUM_WORKERS
    n_chunks = rows_per_w // _CHUNK_ROWS
    mesh = plsc.VectorSubcoreMesh(core_axis_name="c", subcore_axis_name="s")

    @functools.partial(
        pl.kernel,
        mesh=mesh,
        out_type=jax.ShapeDtypeStruct((batch * max_pos, d_model), jnp.float32),
        scratch_types=[
            pltpu.VMEM((_CHUNK_ROWS, d_model), jnp.float32),
            pltpu.VMEM((_CHUNK_ROWS, d_model), jnp.float32),
            pltpu.SemaphoreType.DMA,
            pltpu.SemaphoreType.DMA,
        ],
    )
    def sc_copy(table_hbm, out_hbm, buf0, buf1, sem_in, sem_out):
        wid = lax.axis_index("s") * 2 + lax.axis_index("c")
        base = wid * rows_per_w
        bufs = (buf0, buf1)

        gathers = [None] * n_chunks
        gathers[0] = pltpu.async_copy(
            table_hbm.at[pl.ds(base, _CHUNK_ROWS)], bufs[0], sem_in)
        writes = []
        for k in range(n_chunks):
            gathers[k].wait()
            for w in writes:
                w.wait()
            if k + 1 < n_chunks:
                gathers[k + 1] = pltpu.async_copy(
                    table_hbm.at[pl.ds(base + (k + 1) * _CHUNK_ROWS, _CHUNK_ROWS)],
                    bufs[(k + 1) % 2], sem_in)
            row0 = base + k * _CHUNK_ROWS
            writes = [
                pltpu.async_copy(
                    bufs[k % 2],
                    out_hbm.at[pl.ds(b * max_pos + row0, _CHUNK_ROWS)],
                    sem_out)
                for b in range(batch)
            ]
        for w in writes:
            w.wait()

    return sc_copy


def kernel(inputs, pos_embedding):
    batch, seq_len = inputs.shape
    max_pos, d_model = pos_embedding.shape
    assert seq_len == max_pos
    assert max_pos % (_NUM_WORKERS * _CHUNK_ROWS) == 0
    flat = _make_sc_copy(batch, max_pos, d_model)(pos_embedding)
    return flat.reshape(batch, seq_len, d_model)

# --- scband reference (transcript-rebuilt; emitter-appended) ---
"""Pipeline reference for scband-positional-encoding-37108517438211 (READ-ONLY COPY).

The authoritative reference and input builder live on the scoring server;
editing this copy changes nothing except your own understanding.
"""

import jax, jax.numpy as jnp
import numpy as np

D_MODEL = 768
MAX_POS = 8192
BATCH = 4
SEQ_LEN = 8192

def setup_inputs(seed: int = 0) -> dict:
    key = jax.random.key(seed)
    k1, k2 = jax.random.split(key)
    inputs = jax.random.randint(k1, (BATCH, SEQ_LEN), 0, MAX_POS, dtype=jnp.int64 if jax.config.jax_enable_x64 else jnp.int32)
    pos_embedding = jax.random.normal(k2, (MAX_POS, D_MODEL), dtype=jnp.float32)
    return {"inputs": inputs, "pos_embedding": pos_embedding}

def reference(inputs, pos_embedding):
    # seq_len = inputs.size(1)
    seq_len = inputs.shape[1]
    # pos = arange(seq_len).unsqueeze(0).expand_as(inputs)
    pos = jnp.arange(seq_len, dtype=jnp.int32)
    pos = jnp.broadcast_to(pos[None, :], inputs.shape)
    # nn.Embedding lookup -> gather rows of the table
    return jnp.take(pos_embedding, pos, axis=0)

if __name__ == "__main__":
    import jax
    _d = setup_inputs()
    print(jax.jit(kernel)(*tuple(_d.values())))

</pallas_src>

<mosaic_0001>
#map = affine_map<(d0, d1) -> (0, 0)>
module attributes {stable_mosaic.version = 14 : i64} {
  func.func @sc_copy(%arg0: i32, %arg1: i32, %arg2: memref<8192x768xf32, #tpu.memory_space<hbm>>, %arg3: memref<32768x768xf32, #tpu.memory_space<hbm>>, %arg4: memref<64x768xf32, #tpu.memory_space<vmem>>, %arg5: memref<64x768xf32, #tpu.memory_space<vmem>>, %arg6: memref<!tpu.dma_semaphore, #tpu.memory_space<semaphore_mem>>, %arg7: memref<!tpu.dma_semaphore, #tpu.memory_space<semaphore_mem>>) attributes {dimension_semantics = [#tpu.dimension_semantics<core_parallel>, #tpu.dimension_semantics<subcore_parallel>], iteration_bounds = array<i64: 2, 16>, scalar_prefetch = 0 : i64, scratch_operands = 4 : i64, tpu.core_type = #tpu.core_type<sc_vector_subcore>, window_params = [{transform_indices = #map}, {transform_indices = #map}]} {
    %mul3A = arith.constant 2 : i32
    %mul3A_0 = arith.muli %arg1, %mul3A : i32
    %add3A = arith.addi %mul3A_0, %arg0 : i32
    %mul3A_1 = arith.constant 256 : i32
    %mul3A_2 = arith.muli %add3A, %mul3A_1 : i32
    %dma_start3A = arith.constant 0 : i32
    %dma_start3A_3 = tpu.memref_slice %arg2[%mul3A_2, %dma_start3A] : memref<8192x768xf32, #tpu.memory_space<hbm>> -> memref<64x768xf32, #tpu.memory_space<hbm>>
    %dma_start3A_4 = arith.constant 0 : i32
    %dma_start3A_5 = tpu.memref_slice %arg2[%mul3A_2, %dma_start3A_4] : memref<8192x768xf32, #tpu.memory_space<hbm>> -> memref<64x768xf32, #tpu.memory_space<hbm>>
    tpu.enqueue_dma source(%dma_start3A_5 : memref<64x768xf32, #tpu.memory_space<hbm>>) target(%arg4 : memref<64x768xf32, #tpu.memory_space<vmem>>) target_semaphore(%arg6 : memref<!tpu.dma_semaphore, #tpu.memory_space<semaphore_mem>>)
    %dma_wait3A = arith.constant 0 : i32
    %dma_wait3A_6 = tpu.memref_slice %arg2[%mul3A_2, %dma_wait3A] : memref<8192x768xf32, #tpu.memory_space<hbm>> -> memref<64x768xf32, #tpu.memory_space<hbm>>
    %dma_wait3A_7 = arith.constant 0 : i32
    %dma_wait3A_8 = tpu.memref_slice %arg2[%mul3A_2, %dma_wait3A_7] : memref<8192x768xf32, #tpu.memory_space<hbm>> -> memref<64x768xf32, #tpu.memory_space<hbm>>
    tpu.wait_dma2 semaphore(%arg6 : memref<!tpu.dma_semaphore, #tpu.memory_space<semaphore_mem>>) src(%dma_wait3A_8 : memref<64x768xf32, #tpu.memory_space<hbm>>) dst(%arg4 : memref<64x768xf32, #tpu.memory_space<vmem>>)
    %add3A_9 = arith.constant 64 : i32
    %add3A_10 = arith.addi %mul3A_2, %add3A_9 : i32
    %dma_start3A_11 = arith.constant 0 : i32
    %dma_start3A_12 = tpu.memref_slice %arg2[%add3A_10, %dma_start3A_11] : memref<8192x768xf32, #tpu.memory_space<hbm>> -> memref<64x768xf32, #tpu.memory_space<hbm>>
    %dma_start3A_13 = arith.constant 0 : i32
    %dma_start3A_14 = tpu.memref_slice %arg2[%add3A_10, %dma_start3A_13] : memref<8192x768xf32, #tpu.memory_space<hbm>> -> memref<64x768xf32, #tpu.memory_space<hbm>>
    tpu.enqueue_dma source(%dma_start3A_14 : memref<64x768xf32, #tpu.memory_space<hbm>>) target(%arg5 : memref<64x768xf32, #tpu.memory_space<vmem>>) target_semaphore(%arg6 : memref<!tpu.dma_semaphore, #tpu.memory_space<semaphore_mem>>)
    %add3A_15 = arith.constant 0 : i32
    %add3A_16 = arith.addi %mul3A_2, %add3A_15 : i32
    %add3A_17 = arith.constant 0 : i32
    %add3A_18 = arith.addi %add3A_17, %add3A_16 : i32
    %dma_start3A_19 = arith.constant 0 : i32
    %dma_start3A_20 = tpu.memref_slice %arg3[%add3A_18, %dma_start3A_19] : memref<32768x768xf32, #tpu.memory_space<hbm>> -> memref<64x768xf32, #tpu.memory_space<hbm>>
    %dma_start3A_21 = arith.constant 0 : i32
    %dma_start3A_22 = tpu.memref_slice %arg3[%add3A_18, %dma_start3A_21] : memref<32768x768xf32, #tpu.memory_space<hbm>> -> memref<64x768xf32, #tpu.memory_space<hbm>>
    tpu.enqueue_dma source(%arg4 : memref<64x768xf32, #tpu.memory_space<vmem>>) target(%dma_start3A_22 : memref<64x768xf32, #tpu.memory_space<hbm>>) target_semaphore(%arg7 : memref<!tpu.dma_semaphore, #tpu.memory_space<semaphore_mem>>)
    %add3A_23 = arith.constant 8192 : i32
    %add3A_24 = arith.addi %add3A_23, %add3A_16 : i32
    %dma_start3A_25 = arith.constant 0 : i32
    %dma_start3A_26 = tpu.memref_slice %arg3[%add3A_24, %dma_start3A_25] : memref<32768x768xf32, #tpu.memory_space<hbm>> -> memref<64x768xf32, #tpu.memory_space<hbm>>
    %dma_start3A_27 = arith.constant 0 : i32
    %dma_start3A_28 = tpu.memref_slice %arg3[%add3A_24, %dma_start3A_27] : memref<32768x768xf32, #tpu.memory_space<hbm>> -> memref<64x768xf32, #tpu.memory_space<hbm>>
    tpu.enqueue_dma source(%arg4 : memref<64x768xf32, #tpu.memory_space<vmem>>) target(%dma_start3A_28 : memref<64x768xf32, #tpu.memory_space<hbm>>) target_semaphore(%arg7 : memref<!tpu.dma_semaphore, #tpu.memory_space<semaphore_mem>>)
    %add3A_29 = arith.constant 16384 : i32
    %add3A_30 = arith.addi %add3A_29, %add3A_16 : i32
    %dma_start3A_31 = arith.constant 0 : i32
    %dma_start3A_32 = tpu.memref_slice %arg3[%add3A_30, %dma_start3A_31] : memref<32768x768xf32, #tpu.memory_space<hbm>> -> memref<64x768xf32, #tpu.memory_space<hbm>>
    %dma_start3A_33 = arith.constant 0 : i32
    %dma_start3A_34 = tpu.memref_slice %arg3[%add3A_30, %dma_start3A_33] : memref<32768x768xf32, #tpu.memory_space<hbm>> -> memref<64x768xf32, #tpu.memory_space<hbm>>
    tpu.enqueue_dma source(%arg4 : memref<64x768xf32, #tpu.memory_space<vmem>>) target(%dma_start3A_34 : memref<64x768xf32, #tpu.memory_space<hbm>>) target_semaphore(%arg7 : memref<!tpu.dma_semaphore, #tpu.memory_space<semaphore_mem>>)
    %add3A_35 = arith.constant 24576 : i32
    %add3A_36 = arith.addi %add3A_35, %add3A_16 : i32
    %dma_start3A_37 = arith.constant 0 : i32
    %dma_start3A_38 = tpu.memref_slice %arg3[%add3A_36, %dma_start3A_37] : memref<32768x768xf32, #tpu.memory_space<hbm>> -> memref<64x768xf32, #tpu.memory_space<hbm>>
    %dma_start3A_39 = arith.constant 0 : i32
    %dma_start3A_40 = tpu.memref_slice %arg3[%add3A_36, %dma_start3A_39] : memref<32768x768xf32, #tpu.memory_space<hbm>> -> memref<64x768xf32, #tpu.memory_space<hbm>>
    tpu.enqueue_dma source(%arg4 : memref<64x768xf32, #tpu.memory_space<vmem>>) target(%dma_start3A_40 : memref<64x768xf32, #tpu.memory_space<hbm>>) target_semaphore(%arg7 : memref<!tpu.dma_semaphore, #tpu.memory_space<semaphore_mem>>)
    %dma_wait3A_41 = arith.constant 0 : i32
    %dma_wait3A_42 = tpu.memref_slice %arg2[%add3A_10, %dma_wait3A_41] : memref<8192x768xf32, #tpu.memory_space<hbm>> -> memref<64x768xf32, #tpu.memory_space<hbm>>
    %dma_wait3A_43 = arith.constant 0 : i32
    %dma_wait3A_44 = tpu.memref_slice %arg2[%add3A_10, %dma_wait3A_43] : memref<8192x768xf32, #tpu.memory_space<hbm>> -> memref<64x768xf32, #tpu.memory_space<hbm>>
    tpu.wait_dma2 semaphore(%arg6 : memref<!tpu.dma_semaphore, #tpu.memory_space<semaphore_mem>>) src(%dma_wait3A_44 : memref<64x768xf32, #tpu.memory_space<hbm>>) dst(%arg5 : memref<64x768xf32, #tpu.memory_space<vmem>>)
    %dma_wait3A_45 = arith.constant 0 : i32
    %dma_wait3A_46 = tpu.memref_slice %arg3[%add3A_18, %dma_wait3A_45] : memref<32768x768xf32, #tpu.memory_space<hbm>> -> memref<64x768xf32, #tpu.memory_space<hbm>>
    %dma_wait3A_47 = arith.constant 0 : i32
    %dma_wait3A_48 = tpu.memref_slice %arg3[%add3A_18, %dma_wait3A_47] : memref<32768x768xf32, #tpu.memory_space<hbm>> -> memref<64x768xf32, #tpu.memory_space<hbm>>
    tpu.wait_dma2 semaphore(%arg7 : memref<!tpu.dma_semaphore, #tpu.memory_space<semaphore_mem>>) src(%arg4 : memref<64x768xf32, #tpu.memory_space<vmem>>) dst(%dma_wait3A_48 : memref<64x768xf32, #tpu.memory_space<hbm>>)
    %dma_wait3A_49 = arith.constant 0 : i32
    %dma_wait3A_50 = tpu.memref_slice %arg3[%add3A_24, %dma_wait3A_49] : memref<32768x768xf32, #tpu.memory_space<hbm>> -> memref<64x768xf32, #tpu.memory_space<hbm>>
    %dma_wait3A_51 = arith.constant 0 : i32
    %dma_wait3A_52 = tpu.memref_slice %arg3[%add3A_24, %dma_wait3A_51] : memref<32768x768xf32, #tpu.memory_space<hbm>> -> memref<64x768xf32, #tpu.memory_space<hbm>>
    tpu.wait_dma2 semaphore(%arg7 : memref<!tpu.dma_semaphore, #tpu.memory_space<semaphore_mem>>) src(%arg4 : memref<64x768xf32, #tpu.memory_space<vmem>>) dst(%dma_wait3A_52 : memref<64x768xf32, #tpu.memory_space<hbm>>)
    %dma_wait3A_53 = arith.constant 0 : i32
    %dma_wait3A_54 = tpu.memref_slice %arg3[%add3A_30, %dma_wait3A_53] : memref<32768x768xf32, #tpu.memory_space<hbm>> -> memref<64x768xf32, #tpu.memory_space<hbm>>
    %dma_wait3A_55 = arith.constant 0 : i32
    %dma_wait3A_56 = tpu.memref_slice %arg3[%add3A_30, %dma_wait3A_55] : memref<32768x768xf32, #tpu.memory_space<hbm>> -> memref<64x768xf32, #tpu.memory_space<hbm>>
    tpu.wait_dma2 semaphore(%arg7 : memref<!tpu.dma_semaphore, #tpu.memory_space<semaphore_mem>>) src(%arg4 : memref<64x768xf32, #tpu.memory_space<vmem>>) dst(%dma_wait3A_56 : memref<64x768xf32, #tpu.memory_space<hbm>>)
    %dma_wait3A_57 = arith.constant 0 : i32
    %dma_wait3A_58 = tpu.memref_slice %arg3[%add3A_36, %dma_wait3A_57] : memref<32768x768xf32, #tpu.memory_space<hbm>> -> memref<64x768xf32, #tpu.memory_space<hbm>>
    %dma_wait3A_59 = arith.constant 0 : i32
    %dma_wait3A_60 = tpu.memref_slice %arg3[%add3A_36, %dma_wait3A_59] : memref<32768x768xf32, #tpu.memory_space<hbm>> -> memref<64x768xf32, #tpu.memory_space<hbm>>
    tpu.wait_dma2 semaphore(%arg7 : memref<!tpu.dma_semaphore, #tpu.memory_space<semaphore_mem>>) src(%arg4 : memref<64x768xf32, #tpu.memory_space<vmem>>) dst(%dma_wait3A_60 : memref<64x768xf32, #tpu.memory_space<hbm>>)
    %add3A_61 = arith.constant 128 : i32
    %add3A_62 = arith.addi %mul3A_2, %add3A_61 : i32
    %dma_start3A_63 = arith.constant 0 : i32
    %dma_start3A_64 = tpu.memref_slice %arg2[%add3A_62, %dma_start3A_63] : memref<8192x768xf32, #tpu.memory_space<hbm>> -> memref<64x768xf32, #tpu.memory_space<hbm>>
    %dma_start3A_65 = arith.constant 0 : i32
    %dma_start3A_66 = tpu.memref_slice %arg2[%add3A_62, %dma_start3A_65] : memref<8192x768xf32, #tpu.memory_space<hbm>> -> memref<64x768xf32, #tpu.memory_space<hbm>>
    tpu.enqueue_dma source(%dma_start3A_66 : memref<64x768xf32, #tpu.memory_space<hbm>>) target(%arg4 : memref<64x768xf32, #tpu.memory_space<vmem>>) target_semaphore(%arg6 : memref<!tpu.dma_semaphore, #tpu.memory_space<semaphore_mem>>)
    %add3A_67 = arith.constant 64 : i32
    %add3A_68 = arith.addi %mul3A_2, %add3A_67 : i32
    %add3A_69 = arith.constant 0 : i32
    %add3A_70 = arith.addi %add3A_69, %add3A_68 : i32
    %dma_start3A_71 = arith.constant 0 : i32
    %dma_start3A_72 = tpu.memref_slice %arg3[%add3A_70, %dma_start3A_71] : memref<32768x768xf32, #tpu.memory_space<hbm>> -> memref<64x768xf32, #tpu.memory_space<hbm>>
    %dma_start3A_73 = arith.constant 0 : i32
    %dma_start3A_74 = tpu.memref_slice %arg3[%add3A_70, %dma_start3A_73] : memref<32768x768xf32, #tpu.memory_space<hbm>> -> memref<64x768xf32, #tpu.memory_space<hbm>>
    tpu.enqueue_dma source(%arg5 : memref<64x768xf32, #tpu.memory_space<vmem>>) target(%dma_start3A_74 : memref<64x768xf32, #tpu.memory_space<hbm>>) target_semaphore(%arg7 : memref<!tpu.dma_semaphore, #tpu.memory_space<semaphore_mem>>)
    %add3A_75 = arith.constant 8192 : i32
    %add3A_76 = arith.addi %add3A_75, %add3A_68 : i32
    %dma_start3A_77 = arith.constant 0 : i32
    %dma_start3A_78 = tpu.memref_slice %arg3[%add3A_76, %dma_start3A_77] : memref<32768x768xf32, #tpu.memory_space<hbm>> -> memref<64x768xf32, #tpu.memory_space<hbm>>
    %dma_start3A_79 = arith.constant 0 : i32
    %dma_start3A_80 = tpu.memref_slice %arg3[%add3A_76, %dma_start3A_79] : memref<32768x768xf32, #tpu.memory_space<hbm>> -> memref<64x768xf32, #tpu.memory_space<hbm>>
    tpu.enqueue_dma source(%arg5 : memref<64x768xf32, #tpu.memory_space<vmem>>) target(%dma_start3A_80 : memref<64x768xf32, #tpu.memory_space<hbm>>) target_semaphore(%arg7 : memref<!tpu.dma_semaphore, #tpu.memory_space<semaphore_mem>>)
    %add3A_81 = arith.constant 16384 : i32
    %add3A_82 = arith.addi %add3A_81, %add3A_68 : i32
    %dma_start3A_83 = arith.constant 0 : i32
    %dma_start3A_84 = tpu.memref_slice %arg3[%add3A_82, %dma_start3A_83] : memref<32768x768xf32, #tpu.memory_space<hbm>> -> memref<64x768xf32, #tpu.memory_space<hbm>>
    %dma_start3A_85 = arith.constant 0 : i32
    %dma_start3A_86 = tpu.memref_slice %arg3[%add3A_82, %dma_start3A_85] : memref<32768x768xf32, #tpu.memory_space<hbm>> -> memref<64x768xf32, #tpu.memory_space<hbm>>
    tpu.enqueue_dma source(%arg5 : memref<64x768xf32, #tpu.memory_space<vmem>>) target(%dma_start3A_86 : memref<64x768xf32, #tpu.memory_space<hbm>>) target_semaphore(%arg7 : memref<!tpu.dma_semaphore, #tpu.memory_space<semaphore_mem>>)
    %add3A_87 = arith.constant 24576 : i32
    %add3A_88 = arith.addi %add3A_87, %add3A_68 : i32
    %dma_start3A_89 = arith.constant 0 : i32
    %dma_start3A_90 = tpu.memref_slice %arg3[%add3A_88, %dma_start3A_89] : memref<32768x768xf32, #tpu.memory_space<hbm>> -> memref<64x768xf32, #tpu.memory_space<hbm>>
    %dma_start3A_91 = arith.constant 0 : i32
    %dma_start3A_92 = tpu.memref_slice %arg3[%add3A_88, %dma_start3A_91] : memref<32768x768xf32, #tpu.memory_space<hbm>> -> memref<64x768xf32, #tpu.memory_space<hbm>>
    tpu.enqueue_dma source(%arg5 : memref<64x768xf32, #tpu.memory_space<vmem>>) target(%dma_start3A_92 : memref<64x768xf32, #tpu.memory_space<hbm>>) target_semaphore(%arg7 : memref<!tpu.dma_semaphore, #tpu.memory_space<semaphore_mem>>)
    %dma_wait3A_93 = arith.constant 0 : i32
    %dma_wait3A_94 = tpu.memref_slice %arg2[%add3A_62, %dma_wait3A_93] : memref<8192x768xf32, #tpu.memory_space<hbm>> -> memref<64x768xf32, #tpu.memory_space<hbm>>
    %dma_wait3A_95 = arith.constant 0 : i32
    %dma_wait3A_96 = tpu.memref_slice %arg2[%add3A_62, %dma_wait3A_95] : memref<8192x768xf32, #tpu.memory_space<hbm>> -> memref<64x768xf32, #tpu.memory_space<hbm>>
    tpu.wait_dma2 semaphore(%arg6 : memref<!tpu.dma_semaphore, #tpu.memory_space<semaphore_mem>>) src(%dma_wait3A_96 : memref<64x768xf32, #tpu.memory_space<hbm>>) dst(%arg4 : memref<64x768xf32, #tpu.memory_space<vmem>>)
    %dma_wait3A_97 = arith.constant 0 : i32
    %dma_wait3A_98 = tpu.memref_slice %arg3[%add3A_70, %dma_wait3A_97] : memref<32768x768xf32, #tpu.memory_space<hbm>> -> memref<64x768xf32, #tpu.memory_space<hbm>>
    %dma_wait3A_99 = arith.constant 0 : i32
    %dma_wait3A_100 = tpu.memref_slice %arg3[%add3A_70, %dma_wait3A_99] : memref<32768x768xf32, #tpu.memory_space<hbm>> -> memref<64x768xf32, #tpu.memory_space<hbm>>
    tpu.wait_dma2 semaphore(%arg7 : memref<!tpu.dma_semaphore, #tpu.memory_space<semaphore_mem>>) src(%arg5 : memref<64x768xf32, #tpu.memory_space<vmem>>) dst(%dma_wait3A_100 : memref<64x768xf32, #tpu.memory_space<hbm>>)
    %dma_wait3A_101 = arith.constant 0 : i32
    %dma_wait3A_102 = tpu.memref_slice %arg3[%add3A_76, %dma_wait3A_101] : memref<32768x768xf32, #tpu.memory_space<hbm>> -> memref<64x768xf32, #tpu.memory_space<hbm>>
    %dma_wait3A_103 = arith.constant 0 : i32
    %dma_wait3A_104 = tpu.memref_slice %arg3[%add3A_76, %dma_wait3A_103] : memref<32768x768xf32, #tpu.memory_space<hbm>> -> memref<64x768xf32, #tpu.memory_space<hbm>>
    tpu.wait_dma2 semaphore(%arg7 : memref<!tpu.dma_semaphore, #tpu.memory_space<semaphore_mem>>) src(%arg5 : memref<64x768xf32, #tpu.memory_space<vmem>>) dst(%dma_wait3A_104 : memref<64x768xf32, #tpu.memory_space<hbm>>)
    %dma_wait3A_105 = arith.constant 0 : i32
    %dma_wait3A_106 = tpu.memref_slice %arg3[%add3A_82, %dma_wait3A_105] : memref<32768x768xf32, #tpu.memory_space<hbm>> -> memref<64x768xf32, #tpu.memory_space<hbm>>
    %dma_wait3A_107 = arith.constant 0 : i32
    %dma_wait3A_108 = tpu.memref_slice %arg3[%add3A_82, %dma_wait3A_107] : memref<32768x768xf32, #tpu.memory_space<hbm>> -> memref<64x768xf32, #tpu.memory_space<hbm>>
    tpu.wait_dma2 semaphore(%arg7 : memref<!tpu.dma_semaphore, #tpu.memory_space<semaphore_mem>>) src(%arg5 : memref<64x768xf32, #tpu.memory_space<vmem>>) dst(%dma_wait3A_108 : memref<64x768xf32, #tpu.memory_space<hbm>>)
    %dma_wait3A_109 = arith.constant 0 : i32
    %dma_wait3A_110 = tpu.memref_slice %arg3[%add3A_88, %dma_wait3A_109] : memref<32768x768xf32, #tpu.memory_space<hbm>> -> memref<64x768xf32, #tpu.memory_space<hbm>>
    %dma_wait3A_111 = arith.constant 0 : i32
    %dma_wait3A_112 = tpu.memref_slice %arg3[%add3A_88, %dma_wait3A_111] : memref<32768x768xf32, #tpu.memory_space<hbm>> -> memref<64x768xf32, #tpu.memory_space<hbm>>
    tpu.wait_dma2 semaphore(%arg7 : memref<!tpu.dma_semaphore, #tpu.memory_space<semaphore_mem>>) src(%arg5 : memref<64x768xf32, #tpu.memory_space<vmem>>) dst(%dma_wait3A_112 : memref<64x768xf32, #tpu.memory_space<hbm>>)
    %add3A_113 = arith.constant 192 : i32
    %add3A_114 = arith.addi %mul3A_2, %add3A_113 : i32
    %dma_start3A_115 = arith.constant 0 : i32
    %dma_start3A_116 = tpu.memref_slice %arg2[%add3A_114, %dma_start3A_115] : memref<8192x768xf32, #tpu.memory_space<hbm>> -> memref<64x768xf32, #tpu.memory_space<hbm>>
    %dma_start3A_117 = arith.constant 0 : i32
    %dma_start3A_118 = tpu.memref_slice %arg2[%add3A_114, %dma_start3A_117] : memref<8192x768xf32, #tpu.memory_space<hbm>> -> memref<64x768xf32, #tpu.memory_space<hbm>>
    tpu.enqueue_dma source(%dma_start3A_118 : memref<64x768xf32, #tpu.memory_space<hbm>>) target(%arg5 : memref<64x768xf32, #tpu.memory_space<vmem>>) target_semaphore(%arg6 : memref<!tpu.dma_semaphore, #tpu.memory_space<semaphore_mem>>)
    %add3A_119 = arith.constant 128 : i32
    %add3A_120 = arith.addi %mul3A_2, %add3A_119 : i32
    %add3A_121 = arith.constant 0 : i32
    %add3A_122 = arith.addi %add3A_121, %add3A_120 : i32
    %dma_start3A_123 = arith.constant 0 : i32
    %dma_start3A_124 = tpu.memref_slice %arg3[%add3A_122, %dma_start3A_123] : memref<32768x768xf32, #tpu.memory_space<hbm>> -> memref<64x768xf32, #tpu.memory_space<hbm>>
    %dma_start3A_125 = arith.constant 0 : i32
    %dma_start3A_126 = tpu.memref_slice %arg3[%add3A_122, %dma_start3A_125] : memref<32768x768xf32, #tpu.memory_space<hbm>> -> memref<64x768xf32, #tpu.memory_space<hbm>>
    tpu.enqueue_dma source(%arg4 : memref<64x768xf32, #tpu.memory_space<vmem>>) target(%dma_start3A_126 : memref<64x768xf32, #tpu.memory_space<hbm>>) target_semaphore(%arg7 : memref<!tpu.dma_semaphore, #tpu.memory_space<semaphore_mem>>)
    %add3A_127 = arith.constant 8192 : i32
    %add3A_128 = arith.addi %add3A_127, %add3A_120 : i32
    %dma_start3A_129 = arith.constant 0 : i32
    %dma_start3A_130 = tpu.memref_slice %arg3[%add3A_128, %dma_start3A_129] : memref<32768x768xf32, #tpu.memory_space<hbm>> -> memref<64x768xf32, #tpu.memory_space<hbm>>
    %dma_start3A_131 = arith.constant 0 : i32
    %dma_start3A_132 = tpu.memref_slice %arg3[%add3A_128, %dma_start3A_131] : memref<32768x768xf32, #tpu.memory_space<hbm>> -> memref<64x768xf32, #tpu.memory_space<hbm>>
    tpu.enqueue_dma source(%arg4 : memref<64x768xf32, #tpu.memory_space<vmem>>) target(%dma_start3A_132 : memref<64x768xf32, #tpu.memory_space<hbm>>) target_semaphore(%arg7 : memref<!tpu.dma_semaphore, #tpu.memory_space<semaphore_mem>>)
    %add3A_133 = arith.constant 16384 : i32
    %add3A_134 = arith.addi %add3A_133, %add3A_120 : i32
    %dma_start3A_135 = arith.constant 0 : i32
    %dma_start3A_136 = tpu.memref_slice %arg3[%add3A_134, %dma_start3A_135] : memref<32768x768xf32, #tpu.memory_space<hbm>> -> memref<64x768xf32, #tpu.memory_space<hbm>>
    %dma_start3A_137 = arith.constant 0 : i32
    %dma_start3A_138 = tpu.memref_slice %arg3[%add3A_134, %dma_start3A_137] : memref<32768x768xf32, #tpu.memory_space<hbm>> -> memref<64x768xf32, #tpu.memory_space<hbm>>
    tpu.enqueue_dma source(%arg4 : memref<64x768xf32, #tpu.memory_space<vmem>>) target(%dma_start3A_138 : memref<64x768xf32, #tpu.memory_space<hbm>>) target_semaphore(%arg7 : memref<!tpu.dma_semaphore, #tpu.memory_space<semaphore_mem>>)
    %add3A_139 = arith.constant 24576 : i32
    %add3A_140 = arith.addi %add3A_139, %add3A_120 : i32
    %dma_start3A_141 = arith.constant 0 : i32
    %dma_start3A_142 = tpu.memref_slice %arg3[%add3A_140, %dma_start3A_141] : memref<32768x768xf32, #tpu.memory_space<hbm>> -> memref<64x768xf32, #tpu.memory_space<hbm>>
    %dma_start3A_143 = arith.constant 0 : i32
    %dma_start3A_144 = tpu.memref_slice %arg3[%add3A_140, %dma_start3A_143] : memref<32768x768xf32, #tpu.memory_space<hbm>> -> memref<64x768xf32, #tpu.memory_space<hbm>>
    tpu.enqueue_dma source(%arg4 : memref<64x768xf32, #tpu.memory_space<vmem>>) target(%dma_start3A_144 : memref<64x768xf32, #tpu.memory_space<hbm>>) target_semaphore(%arg7 : memref<!tpu.dma_semaphore, #tpu.memory_space<semaphore_mem>>)
    %dma_wait3A_145 = arith.constant 0 : i32
    %dma_wait3A_146 = tpu.memref_slice %arg2[%add3A_114, %dma_wait3A_145] : memref<8192x768xf32, #tpu.memory_space<hbm>> -> memref<64x768xf32, #tpu.memory_space<hbm>>
    %dma_wait3A_147 = arith.constant 0 : i32
    %dma_wait3A_148 = tpu.memref_slice %arg2[%add3A_114, %dma_wait3A_147] : memref<8192x768xf32, #tpu.memory_space<hbm>> -> memref<64x768xf32, #tpu.memory_space<hbm>>
    tpu.wait_dma2 semaphore(%arg6 : memref<!tpu.dma_semaphore, #tpu.memory_space<semaphore_mem>>) src(%dma_wait3A_148 : memref<64x768xf32, #tpu.memory_space<hbm>>) dst(%arg5 : memref<64x768xf32, #tpu.memory_space<vmem>>)
    %dma_wait3A_149 = arith.constant 0 : i32
    %dma_wait3A_150 = tpu.memref_slice %arg3[%add3A_122, %dma_wait3A_149] : memref<32768x768xf32, #tpu.memory_space<hbm>> -> memref<64x768xf32, #tpu.memory_space<hbm>>
    %dma_wait3A_151 = arith.constant 0 : i32
    %dma_wait3A_152 = tpu.memref_slice %arg3[%add3A_122, %dma_wait3A_151] : memref<32768x768xf32, #tpu.memory_space<hbm>> -> memref<64x768xf32, #tpu.memory_space<hbm>>
    tpu.wait_dma2 semaphore(%arg7 : memref<!tpu.dma_semaphore, #tpu.memory_space<semaphore_mem>>) src(%arg4 : memref<64x768xf32, #tpu.memory_space<vmem>>) dst(%dma_wait3A_152 : memref<64x768xf32, #tpu.memory_space<hbm>>)
    %dma_wait3A_153 = arith.constant 0 : i32
    %dma_wait3A_154 = tpu.memref_slice %arg3[%add3A_128, %dma_wait3A_153] : memref<32768x768xf32, #tpu.memory_space<hbm>> -> memref<64x768xf32, #tpu.memory_space<hbm>>
    %dma_wait3A_155 = arith.constant 0 : i32
    %dma_wait3A_156 = tpu.memref_slice %arg3[%add3A_128, %dma_wait3A_155] : memref<32768x768xf32, #tpu.memory_space<hbm>> -> memref<64x768xf32, #tpu.memory_space<hbm>>
    tpu.wait_dma2 semaphore(%arg7 : memref<!tpu.dma_semaphore, #tpu.memory_space<semaphore_mem>>) src(%arg4 : memref<64x768xf32, #tpu.memory_space<vmem>>) dst(%dma_wait3A_156 : memref<64x768xf32, #tpu.memory_space<hbm>>)
    %dma_wait3A_157 = arith.constant 0 : i32
    %dma_wait3A_158 = tpu.memref_slice %arg3[%add3A_134, %dma_wait3A_157] : memref<32768x768xf32, #tpu.memory_space<hbm>> -> memref<64x768xf32, #tpu.memory_space<hbm>>
    %dma_wait3A_159 = arith.constant 0 : i32
    %dma_wait3A_160 = tpu.memref_slice %arg3[%add3A_134, %dma_wait3A_159] : memref<32768x768xf32, #tpu.memory_space<hbm>> -> memref<64x768xf32, #tpu.memory_space<hbm>>
    tpu.wait_dma2 semaphore(%arg7 : memref<!tpu.dma_semaphore, #tpu.memory_space<semaphore_mem>>) src(%arg4 : memref<64x768xf32, #tpu.memory_space<vmem>>) dst(%dma_wait3A_160 : memref<64x768xf32, #tpu.memory_space<hbm>>)
    %dma_wait3A_161 = arith.constant 0 : i32
    %dma_wait3A_162 = tpu.memref_slice %arg3[%add3A_140, %dma_wait3A_161] : memref<32768x768xf32, #tpu.memory_space<hbm>> -> memref<64x768xf32, #tpu.memory_space<hbm>>
    %dma_wait3A_163 = arith.constant 0 : i32
    %dma_wait3A_164 = tpu.memref_slice %arg3[%add3A_140, %dma_wait3A_163] : memref<32768x768xf32, #tpu.memory_space<hbm>> -> memref<64x768xf32, #tpu.memory_space<hbm>>
    tpu.wait_dma2 semaphore(%arg7 : memref<!tpu.dma_semaphore, #tpu.memory_space<semaphore_mem>>) src(%arg4 : memref<64x768xf32, #tpu.memory_space<vmem>>) dst(%dma_wait3A_164 : memref<64x768xf32, #tpu.memory_space<hbm>>)
    %add3A_165 = arith.constant 192 : i32
    %add3A_166 = arith.addi %mul3A_2, %add3A_165 : i32
    %add3A_167 = arith.constant 0 : i32
    %add3A_168 = arith.addi %add3A_167, %add3A_166 : i32
    %dma_start3A_169 = arith.constant 0 : i32
    %dma_start3A_170 = tpu.memref_slice %arg3[%add3A_168, %dma_start3A_169] : memref<32768x768xf32, #tpu.memory_space<hbm>> -> memref<64x768xf32, #tpu.memory_space<hbm>>
    %dma_start3A_171 = arith.constant 0 : i32
    %dma_start3A_172 = tpu.memref_slice %arg3[%add3A_168, %dma_start3A_171] : memref<32768x768xf32, #tpu.memory_space<hbm>> -> memref<64x768xf32, #tpu.memory_space<hbm>>
    tpu.enqueue_dma source(%arg5 : memref<64x768xf32, #tpu.memory_space<vmem>>) target(%dma_start3A_172 : memref<64x768xf32, #tpu.memory_space<hbm>>) target_semaphore(%arg7 : memref<!tpu.dma_semaphore, #tpu.memory_space<semaphore_mem>>)
    %add3A_173 = arith.constant 8192 : i32
    %add3A_174 = arith.addi %add3A_173, %add3A_166 : i32
    %dma_start3A_175 = arith.constant 0 : i32
    %dma_start3A_176 = tpu.memref_slice %arg3[%add3A_174, %dma_start3A_175] : memref<32768x768xf32, #tpu.memory_space<hbm>> -> memref<64x768xf32, #tpu.memory_space<hbm>>
    %dma_start3A_177 = arith.constant 0 : i32
    %dma_start3A_178 = tpu.memref_slice %arg3[%add3A_174, %dma_start3A_177] : memref<32768x768xf32, #tpu.memory_space<hbm>> -> memref<64x768xf32, #tpu.memory_space<hbm>>
    tpu.enqueue_dma source(%arg5 : memref<64x768xf32, #tpu.memory_space<vmem>>) target(%dma_start3A_178 : memref<64x768xf32, #tpu.memory_space<hbm>>) target_semaphore(%arg7 : memref<!tpu.dma_semaphore, #tpu.memory_space<semaphore_mem>>)
    %add3A_179 = arith.constant 16384 : i32
    %add3A_180 = arith.addi %add3A_179, %add3A_166 : i32
    %dma_start3A_181 = arith.constant 0 : i32
    %dma_start3A_182 = tpu.memref_slice %arg3[%add3A_180, %dma_start3A_181] : memref<32768x768xf32, #tpu.memory_space<hbm>> -> memref<64x768xf32, #tpu.memory_space<hbm>>
    %dma_start3A_183 = arith.constant 0 : i32
    %dma_start3A_184 = tpu.memref_slice %arg3[%add3A_180, %dma_start3A_183] : memref<32768x768xf32, #tpu.memory_space<hbm>> -> memref<64x768xf32, #tpu.memory_space<hbm>>
    tpu.enqueue_dma source(%arg5 : memref<64x768xf32, #tpu.memory_space<vmem>>) target(%dma_start3A_184 : memref<64x768xf32, #tpu.memory_space<hbm>>) target_semaphore(%arg7 : memref<!tpu.dma_semaphore, #tpu.memory_space<semaphore_mem>>)
    %add3A_185 = arith.constant 24576 : i32
    %add3A_186 = arith.addi %add3A_185, %add3A_166 : i32
    %dma_start3A_187 = arith.constant 0 : i32
    %dma_start3A_188 = tpu.memref_slice %arg3[%add3A_186, %dma_start3A_187] : memref<32768x768xf32, #tpu.memory_space<hbm>> -> memref<64x768xf32, #tpu.memory_space<hbm>>
    %dma_start3A_189 = arith.constant 0 : i32
    %dma_start3A_190 = tpu.memref_slice %arg3[%add3A_186, %dma_start3A_189] : memref<32768x768xf32, #tpu.memory_space<hbm>> -> memref<64x768xf32, #tpu.memory_space<hbm>>
    tpu.enqueue_dma source(%arg5 : memref<64x768xf32, #tpu.memory_space<vmem>>) target(%dma_start3A_190 : memref<64x768xf32, #tpu.memory_space<hbm>>) target_semaphore(%arg7 : memref<!tpu.dma_semaphore, #tpu.memory_space<semaphore_mem>>)
    %dma_wait3A_191 = arith.constant 0 : i32
    %dma_wait3A_192 = tpu.memref_slice %arg3[%add3A_168, %dma_wait3A_191] : memref<32768x768xf32, #tpu.memory_space<hbm>> -> memref<64x768xf32, #tpu.memory_space<hbm>>
    %dma_wait3A_193 = arith.constant 0 : i32
    %dma_wait3A_194 = tpu.memref_slice %arg3[%add3A_168, %dma_wait3A_193] : memref<32768x768xf32, #tpu.memory_space<hbm>> -> memref<64x768xf32, #tpu.memory_space<hbm>>
    tpu.wait_dma2 semaphore(%arg7 : memref<!tpu.dma_semaphore, #tpu.memory_space<semaphore_mem>>) src(%arg5 : memref<64x768xf32, #tpu.memory_space<vmem>>) dst(%dma_wait3A_194 : memref<64x768xf32, #tpu.memory_space<hbm>>)
    %dma_wait3A_195 = arith.constant 0 : i32
    %dma_wait3A_196 = tpu.memref_slice %arg3[%add3A_174, %dma_wait3A_195] : memref<32768x768xf32, #tpu.memory_space<hbm>> -> memref<64x768xf32, #tpu.memory_space<hbm>>
    %dma_wait3A_197 = arith.constant 0 : i32
    %dma_wait3A_198 = tpu.memref_slice %arg3[%add3A_174, %dma_wait3A_197] : memref<32768x768xf32, #tpu.memory_space<hbm>> -> memref<64x768xf32, #tpu.memory_space<hbm>>
    tpu.wait_dma2 semaphore(%arg7 : memref<!tpu.dma_semaphore, #tpu.memory_space<semaphore_mem>>) src(%arg5 : memref<64x768xf32, #tpu.memory_space<vmem>>) dst(%dma_wait3A_198 : memref<64x768xf32, #tpu.memory_space<hbm>>)
    %dma_wait3A_199 = arith.constant 0 : i32
    %dma_wait3A_200 = tpu.memref_slice %arg3[%add3A_180, %dma_wait3A_199] : memref<32768x768xf32, #tpu.memory_space<hbm>> -> memref<64x768xf32, #tpu.memory_space<hbm>>
    %dma_wait3A_201 = arith.constant 0 : i32
    %dma_wait3A_202 = tpu.memref_slice %arg3[%add3A_180, %dma_wait3A_201] : memref<32768x768xf32, #tpu.memory_space<hbm>> -> memref<64x768xf32, #tpu.memory_space<hbm>>
    tpu.wait_dma2 semaphore(%arg7 : memref<!tpu.dma_semaphore, #tpu.memory_space<semaphore_mem>>) src(%arg5 : memref<64x768xf32, #tpu.memory_space<vmem>>) dst(%dma_wait3A_202 : memref<64x768xf32, #tpu.memory_space<hbm>>)
    %dma_wait3A_203 = arith.constant 0 : i32
    %dma_wait3A_204 = tpu.memref_slice %arg3[%add3A_186, %dma_wait3A_203] : memref<32768x768xf32, #tpu.memory_space<hbm>> -> memref<64x768xf32, #tpu.memory_space<hbm>>
    %dma_wait3A_205 = arith.constant 0 : i32
    %dma_wait3A_206 = tpu.memref_slice %arg3[%add3A_186, %dma_wait3A_205] : memref<32768x768xf32, #tpu.memory_space<hbm>> -> memref<64x768xf32, #tpu.memory_space<hbm>>
    tpu.wait_dma2 semaphore(%arg7 : memref<!tpu.dma_semaphore, #tpu.memory_space<semaphore_mem>>) src(%arg5 : memref<64x768xf32, #tpu.memory_space<vmem>>) dst(%dma_wait3A_206 : memref<64x768xf32, #tpu.memory_space<hbm>>)
    return
  }
}

</mosaic_0001>

<sc_bundles>
// kernel: kernel.3.cloned.1.call-start
scs
__scs_entry_jumppad:
0x0: {  	(pc) =	sbr.rel $0x88, $3  }
0x1: {  	(tag) =	ssettag $0x0;
	lr =	simm.s32 $0x1  }
0x2: {  	[smem:$0x3FA0] =	sst lr;
	_ =	strace $0xD0000000  }
0x3: {  	_ = 	snop  }
0x4: {  	_ = 	snop  }
0x5: {  	_ = 	snop  }
0x6: {  	_ = 	snop  }
0x7: {  	_ = 	snop  }
__scs_overlays_trampoline_lowered:
0x8: {  	[smem:$0x3FAF] =	sst s0  }
0x9: {  	[smem:$0x3FB0] =	sst s1  }
0xa: {  	[smem:$0x3FB1] =	sst s2  }
0xb: {  	[smem:$0x3FB2] =	sst s3  }
0xc: {  	[smem:$0x3FB3] =	sst s4  }
0xd: {  	[smem:$0x3FB4] =	sst s5  }
0xe: {  	[smem:$0x3FB5] =	sst s6  }
0xf: {  	[smem:$0x3FB6] =	sst s7  }
0x10: {  	[smem:$0x3FB7] =	sst s8  }
0x11: {  	[smem:$0x3FB8] =	sst s9;
	s0 =	simm.s32 @!p0 $0x0  }
0x12: {  	s1 =	sld [smem:$0x3F9E];
	s0 =	simm.s32 @p0 $0x1  }
0x13: {  	[smem:$0x3FB9] =	sst s0;
	s0 =	simm.s32 @!p1 $0x0  }
0x14: {  	s2 =	sld [smem:$0x3F9D];
	s0 =	simm.s32 @p1 $0x1  }
0x15: {  	[smem:$0x3FBA] =	sst s0;
	s0 =	simm.s32 @!p2 $0x0  }
0x16: {  	s3 =	sld [smem:$0x3FDB];
	s0 =	simm.s32 @p2 $0x1  }
0x17: {  	s4 =	simm.s32 $0x1BF5;
	[smem:$0x3FBC] =	sst s0  }
0x18: {  	s0 =	sld [smem:$0x3F9F];
	_ =	swait.ge [sflag:s4], $0x0  }
0x19: {  	s7 =	sld [smem:$0x3FA0]  }
0x1a: {  	s8 =	sadd.s32 $0xFFFFE003, lr  }
0x1b: {  	s9 =	sadd.s32 $0xFFFFFEF7, lr;
	s5 =	simm.s32 $0xFFFFFFFF;
	p2 =	slt.u32 s8, $0xFFFFF086  }
0x1c: {  	p1 =	slt.u32 s9, $0xF7A;
	s5 =	simm.s32 @!p2 $0x0  }
0x1d: {  	s5 =	simm.s32 @p1 $0x1;
	p0 =	seq.s32 s7, s2  }
0x1e: {  	s7 =	smul.u32 @!p0 $0xF7A, s2;
	p2 =	seq.s32 @!p0 s5, $0x0  }
0x1f: {  	s9 =	smul.u32 $0xF7A, s1;
	s8 =	simm.s32 @!p0 $0x1BF5;
	p2 =	por !p2, p0  }
0x20: {  	[sflag:s8] =	ssyncset.s32 @!p0 $0xFFFFF086;
	s6 =	sadd.s32 @!p0 s3, s7;
	s7 =	simm.s32 @!p0 $0x108  }
0x21: {  	s3 =	sadd.s32 s3, s9;
	s6 =	sadd.s32 @!p0 $0x88, s6;
	s7 =	simm.s32 @p2 $0x1082  }
0x22: {  	[simem:s7], [sflag:s8] =	dma.local @!p0 [hbm:s6], $0xF7A  }
0x23: {  	s9 =	sor.u32 $0xD0000000, s2;
	s6 =	simm.s32 $0x108;
	_ =	swait.ge @!p0 [sflag:s8], $0x0  }
0x24: {  	s3 =	sadd.s32 $0x88, s3;
	s6 =	simm.s32 @!p1 $0x1082;
	[sflag:s4] =	ssyncset.s32 $0xFFFFF086  }
0x25: {  	[simem:s6], [sflag:s4] =	dma.local [hbm:s3], $0xF7A  }
0x26: {  	[smem:$0x3FA0] =	sst s1;
	(tag) =	ssettag s2;
	_ =	strace s9  }
0x27: {  	s1 =	sld [smem:$0x3FB0]  }
0x28: {  	s2 =	sld [smem:$0x3FB1]  }
0x29: {  	s4 =	sld [smem:$0x3FB3]  }
0x2a: {  	p0 =	seq.s32 s5, $0x0;
	s5 =	sld [smem:$0x3FB4]  }
0x2b: {  	s6 =	sld [smem:$0x3FB5]  }
0x2c: {  	s7 =	sld [smem:$0x3FB6]  }
0x2d: {  	s3 =	simm.s32 $0x108;
	s8 =	sld [smem:$0x3FB7]  }
0x2e: {  	s3 =	simm.s32 @!p0 $0x1082;
	s9 =	sld [smem:$0x3FB8]  }
0x2f: {  	lr =	sadd.s32 s0, s3;
	s0 =	sld [smem:$0x3FAF]  }
0x30: {  	s3 =	sld [smem:$0x3FB2]  }
0x31: {  	[smem:$0x3FBB] =	sst s10  }
0x32: {  	s10 =	sld [smem:$0x3FB9];
	_ =	sdelay $0x3  }
0x33: {  	p0 =	seq.s32 s10, $0x1;
	s10 =	sld [smem:$0x3FBB];
	_ =	sdelay $0x3  }
0x34: {  	[smem:$0x3FBB] =	sst s10  }
0x35: {  	s10 =	sld [smem:$0x3FBA];
	_ =	sdelay $0x3  }
0x36: {  	p1 =	seq.s32 s10, $0x1;
	s10 =	sld [smem:$0x3FBB];
	_ =	sdelay $0x3  }
0x37: {  	[smem:$0x3FBB] =	sst s10  }
0x38: {  	s10 =	sld [smem:$0x3FBC]  }
0x39: {  	_ = 	snop;
	(pc) =	sbr.ind lr, $3  }
0x3a: {  	_ = 	snop  }
0x3b: {  	_ = 	snop  }
0x3c: {  	p2 =	seq.s32 s10, $0x1;
	s10 =	sld [smem:$0x3FBB]  }
0x3d: {  	_ =	shalt  }
0x3e: {  	_ =	shalt  }
0x3f: {  	_ =	shalt  }
0x40: {  	_ =	shalt  }
0x41: {  	_ =	shalt  }
0x42: {  	_ =	shalt  }
0x43: {  	_ =	shalt  }
0x44: {  	_ =	shalt  }
0x45: {  	_ =	shalt  }
0x46: {  	_ =	shalt  }
0x47: {  	_ =	shalt  }
0x48: {  	_ =	shalt  }
0x49: {  	_ =	shalt  }
0x4a: {  	_ =	shalt  }
0x4b: {  	_ =	shalt  }
0x4c: {  	_ =	shalt  }
0x4d: {  	_ =	shalt  }
0x4e: {  	_ =	shalt  }
0x4f: {  	_ =	shalt  }
0x50: {  	_ =	shalt  }
0x51: {  	_ =	shalt  }
0x52: {  	_ =	shalt  }
0x53: {  	_ =	shalt  }
0x54: {  	_ =	shalt  }
0x55: {  	_ =	shalt  }
0x56: {  	_ =	shalt  }
0x57: {  	_ =	shalt  }
0x58: {  	_ =	shalt  }
0x59: {  	_ =	shalt  }
0x5a: {  	_ =	shalt  }
0x5b: {  	_ =	shalt  }
0x5c: {  	_ =	shalt  }
0x5d: {  	_ =	shalt  }
0x5e: {  	_ =	shalt  }
0x5f: {  	_ =	shalt  }
0x60: {  	_ =	shalt  }
0x61: {  	_ =	shalt  }
0x62: {  	_ =	shalt  }
0x63: {  	_ =	shalt  }
0x64: {  	_ =	shalt  }
0x65: {  	_ =	shalt  }
0x66: {  	_ =	shalt  }
0x67: {  	_ =	shalt  }
0x68: {  	_ =	shalt  }
0x69: {  	_ =	shalt  }
0x6a: {  	_ =	shalt  }
0x6b: {  	_ =	shalt  }
0x6c: {  	_ =	shalt  }
0x6d: {  	_ =	shalt  }
0x6e: {  	_ =	shalt  }
0x6f: {  	_ =	shalt  }
0x70: {  	_ =	shalt  }
0x71: {  	_ =	shalt  }
0x72: {  	_ =	shalt  }
0x73: {  	_ =	shalt  }
0x74: {  	_ =	shalt  }
0x75: {  	_ =	shalt  }
0x76: {  	_ =	shalt  }
0x77: {  	_ =	shalt  }
0x78: {  	_ =	shalt  }
0x79: {  	_ =	shalt  }
0x7a: {  	_ =	shalt  }
0x7b: {  	_ =	shalt  }
0x7c: {  	_ =	shalt  }
0x7d: {  	_ =	shalt  }
0x7e: {  	_ =	shalt  }
0x7f: {  	_ =	shalt  }
0x80: {  	_ =	shalt  }
0x81: {  	_ =	shalt  }
0x82: {  	_ =	shalt  }
0x83: {  	_ =	shalt  }
0x84: {  	_ =	shalt  }
0x85: {  	_ =	shalt  }
0x86: {  	_ =	shalt  }
0x87: {  	_ =	shalt  }
.Lfunc_end0:
.L_simem_size_0:
called_computation_lowered:
.L_overlay_start_0:
0x88: {  	s2 =	sld [smem:$0x3FD9]  }
0x89: {  	s3 =	sld [smem:$0x3FFE];
	_ =	sdelay $0x1  }
0x8a: {  	s1 =	srdreg.scid  }
0x8b: {  	s0 =	sand.u32 $0x1, s1  }
0x8c: {  	s18 =	sshll.u32 s0, $0xA;
	s2 =	sadd.s32 s3, s2  }
0x8d: {  	s2 =	sadd.s32 s2, s18  }
0x8e: {  	[smem:$0x3FC7] =	sst s2  }
0x8f: {  	_ = 	snop  }
0x90: {  	s2 =	sld [smem:$0x3FC9]  }
0x91: {  	s19 =	sld [smem:$0x3FD0];
	(tm) =	ssettm $0x1  }
0x92: {  	s4 =	sld [smem:$0x3FFB];
	_ =	sdelay $0x3  }
0x93: {  	_ =	strace s4  }
0x94: {  	s4 =	sld [smem:$0x3FFC];
	_ =	sdelay $0x3  }
0x95: {  	_ =	strace s4  }
0x96: {  	s4 =	sld [smem:$0x3FFD];
	_ =	sdelay $0x3  }
0x97: {  	_ =	strace s4  }
0x98: {  	_ =	strace $0x8FFFFFFF  }
0x99: {  	s20 =	sld [smem:$0x3FDB];
	_ =	sdelay $0x1  }
0x9a: {  	s5 =	simm.s32 $_scs_section_size  }
0x9b: {  	s6 =	simm.s32 $_size__tile_overlayer_lowered;
	s7 =	simm.s32 $_tile_overlayer_lowered  }
0x9c: {  	s23 =	simm.s32 $0x1BFF;
	s22 =	sshll.u32 s7, $0x1;
	s4 =	sadd.s32 s5, s20  }
0x9d: {  	s8 =	simm.s32 $0x0;
	s21 =	sshll.u32 s6, $0x1;
	s6 =	sadd.s32 s22, s4  }
0x9e: {  	[timem:s8], [sflag:s23] =	dma.local [hbm:s6], s21  }
0x9f: {  	_ =	swait.ge [sflag:s23], s21  }
0xa0: {  	s5 =	ssub.s32 $0x0, s21;
	[sflag:s23] =	ssyncset.done $0x0  }
0xa1: {  	[sflag:s23] =	ssyncadd.s32 s5;
	_ =	sdelay $0x1  }
0xa2: {  	s24 =	simm.s32 $0x1B8B  }
0xa3: {  	_ =	swait.ge [sflag:s24], $0x1  }
0xa4: {  	[sflag:s24] =	ssyncset.done $0x0  }
0xa5: {  	s25 =	simm.s32 $0x1B8E;
	[sflag:s24] =	ssyncadd.s32 $0xFFFFFFFF  }
0xa6: {  	s26 =	simm.s32 $execute0_lowered;
	[smem:$0x3FD2] =	sst s25  }
0xa7: {  	s5 =	sshll.u32 s26, $0x1;
	_ =	strace $0x80000046;
	[dreg:$0x1] =	wrdreg $0xFFFFFFFF  }
0xa8: {  	s28 =	simm.s32 $_size_execute0_lowered;
	s4 =	sadd.s32 s4, s5;
	[dreg:$0x0] =	wrdreg $0x0  }
0xa9: {  	s5 =	sshll.u32 s28, $0x1;
	[dreg:$0x2] =	wrdreg s4  }
0xaa: {  	[dreg:$0x3] =	wrdreg s5  }
0xab: {  	[dreg:$0x4] =	wrdreg $0xC0  }
0xac: {  	_ =	task [dreg:s8], $0x5FFFF  }
0xad: {  	[dreg:$0x1] =	wrdreg $0xFFFFFFFF  }
0xae: {  	[dreg:$0x0] =	wrdreg $0x60  }
0xaf: {  	[dreg:$0x2] =	wrdreg s2  }
0xb0: {  	[dreg:$0x3] =	wrdreg s19  }
0xb1: {  	[dreg:$0x4] =	wrdreg $0x9  }
0xb2: {  	_ =	task.clear_ibuf [dreg:s8], $0x5FFFF;
	_ =	strace $0x90000046  }
0xb3: {  	s29 =	simm.s32 $0x9;
	_ =	strace $0x80000048  }
0xb4: {  	_ =	swait.ge [sflag:s29], $0x1  }
0xb5: {  	[sflag:s29] =	ssyncadd.s32 $0xFFFFFFFF  }
0xb6: {  	_ =	strace $0x90000048  }
0xb7: {  	_ =	sfence  }
0xb8: {  	s30 =	sld [smem:$0x0];
	_ =	sdelay $0x2  }
0xb9: {  	s31 =	sshll.u32 s1, $0xD;
	s1 =	sshrl.u32 s1, $0x2  }
0xba: {  	s3 =	sand.u32 $0x4000, s31;
	s1 =	sadd.s32 s1, s30  }
0xbb: {  	s0 =	sor.u32 s3, s0;
	s1 =	sshll.u32 s1, $0x11  }
0xbc: {  	s0 =	sor.u32 s1, s0  }
0xbd: {  	s0 =	sadd.s32 $0x8F2B, s0  }
0xbe: {  	[sflag:s0] =	ssyncadd.remote.s32 $0x1  }
0xbf: {  	_ =	sfence.sel $0xFFFF  }
0xc0: {  	[dreg:$0x0] =	wrdreg $0xFFFFFFFF;
	(pc) =	sbr.abs _section_cstart, $3  }
0xc1: {  	[dreg:$0x1] =	wrdreg $0xFFFFFFFF  }
0xc2: {  	_ =	task.clear_ibuf [dreg:s8], $0x2FFFF;
	_ =	strace $0x9FFFFFFF  }
0xc3: {  	(tm) =	ssettm $0x7FFFFFFF  }
tec
execute0_lowered:
.L_overlay_start_1:
0x0: {  	(tag) =	ssettag $0x1  }
0x1: {  	s1 =	srdreg.scid  }
0x2: {  	s0 =	stileid.u32;
	s26 =	sand.u32 $0x1, s1  }
0x3: {  	s31 =	sshll.u32 s0, $0x6;
	s2 =	sshll.u32 s26, $0x5  }
0x4: {  	s17 =	rddreg [dreg:$0x0];
	s12 =	sor.u32 s2, s31  }
0x5: {  	s22 =	rddreg [dreg:$0x1];
	s2 =	simm.s32 $0x0;
	s7 =	smul.u32 $0x300, s12  }
0x6: {  	s4 =	simm.s32 $0x1;
	[smem:$0x7FF] =	sst s2  }
0x7: {  	s1 =	rddreg [dreg:$0x2];
	_ =	strace $0x80000047;
	s3 =	sadd.s32 s17, s7  }
0x8: {  	[tilespmem:s2], [sflag:$0x1] =	stream.linear.gather [hbm4b:s3+s2], $0xC000, $0x38;
	[tilespmem:$0x18000] =	vst v63  }
0x9: {  	_ =	swait.ge [sflag:s4], $0xC000  }
0xa: {  	s13 =	sor.u32 $0x1800, s7;
	[sflag:s4] =	ssyncset.done $0x0  }
0xb: {  	s6 =	simm.s32 $0xC000;
	s5 =	sadd.s32 s17, s13;
	[sflag:s4] =	ssyncadd.s32 $0xFFFF4000  }
0xc: {  	[tilespmem:s6], [sflag:$0x1] =	stream.linear.gather [hbm4b:s5+s2], $0xC000, $0x38;
	[tilespmem:$0x18000] =	vst v63  }
0xd: {  	s7 =	sadd.s32 s22, s7  }
0xe: {  	[hbm4b:s7+s2] =	stream.linear.scatter [tilespmem:s2], [sflag:$0x2], $0xC000, $0x38;
	[tilespmem:$0x18000] =	vst v63  }
0xf: {  	s8 =	sadd.s32 $0xC0000, s7  }
0x10: {  	[hbm4b:s8+s2] =	stream.linear.scatter [tilespmem:s2], [sflag:$0x2], $0xC000, $0x38;
	[tilespmem:$0x18000] =	vst v63  }
0x11: {  	s9 =	sadd.s32 $0x180000, s7  }
0x12: {  	[hbm4b:s9+s2] =	stream.linear.scatter [tilespmem:s2], [sflag:$0x2], $0xC000, $0x38;
	[tilespmem:$0x18000] =	vst v63  }
0x13: {  	s10 =	sadd.s32 $0x240000, s7  }
0x14: {  	[hbm4b:s10+s2] =	stream.linear.scatter [tilespmem:s2], [sflag:$0x2], $0xC000, $0x38;
	[tilespmem:$0x18000] =	vst v63  }
0x15: {  	_ =	swait.ge [sflag:s4], $0xC000  }
0x16: {  	[sflag:s4] =	ssyncset.done $0x0  }
0x17: {  	s11 =	simm.s32 $0x2;
	[sflag:s4] =	ssyncadd.s32 $0xFFFF4000  }
0x18: {  	_ =	swait.ge [sflag:s11], $0xC000  }
0x19: {  	[sflag:s11] =	ssyncset.done $0x0  }
0x1a: {  	[sflag:s11] =	ssyncadd.s32 $0xFFFF4000  }
0x1b: {  	_ =	swait.ge [sflag:s11], $0xC000  }
0x1c: {  	[sflag:s11] =	ssyncset.done $0x0  }
0x1d: {  	[sflag:s11] =	ssyncadd.s32 $0xFFFF4000  }
0x1e: {  	_ =	swait.ge [sflag:s11], $0xC000  }
0x1f: {  	s12 =	smul.u32 $0x1800, s12;
	[sflag:s11] =	ssyncset.done $0x0  }
0x20: {  	[sflag:s11] =	ssyncadd.s32 $0xFFFF4000  }
0x21: {  	s18 =	sshrl.u32 s12, $0x3;
	_ =	swait.ge [sflag:s11], $0xC000  }
0x22: {  	s19 =	sadd.s32 $0x3000, s18;
	[sflag:s11] =	ssyncset.done $0x0  }
0x23: {  	s12 =	sadd.s32 s17, s19;
	[sflag:s11] =	ssyncadd.s32 $0xFFFF4000  }
0x24: {  	[tilespmem:s2], [sflag:$0x1] =	stream.linear.gather [hbm4b:s12+s2], $0xC000, $0x38;
	[tilespmem:$0x18000] =	vst v63  }
0x25: {  	s13 =	sadd.s32 s22, s13  }
0x26: {  	[hbm4b:s13+s2] =	stream.linear.scatter [tilespmem:s6], [sflag:$0x2], $0xC000, $0x38;
	[tilespmem:$0x18000] =	vst v63  }
0x27: {  	s14 =	sadd.s32 $0xC1800, s7  }
0x28: {  	[hbm4b:s14+s2] =	stream.linear.scatter [tilespmem:s6], [sflag:$0x2], $0xC000, $0x38;
	[tilespmem:$0x18000] =	vst v63  }
0x29: {  	s15 =	sadd.s32 $0x181800, s7  }
0x2a: {  	[hbm4b:s15+s2] =	stream.linear.scatter [tilespmem:s6], [sflag:$0x2], $0xC000, $0x38;
	[tilespmem:$0x18000] =	vst v63  }
0x2b: {  	s16 =	sadd.s32 $0x241800, s7  }
0x2c: {  	[hbm4b:s16+s2] =	stream.linear.scatter [tilespmem:s6], [sflag:$0x2], $0xC000, $0x38;
	[tilespmem:$0x18000] =	vst v63  }
0x2d: {  	_ =	swait.ge [sflag:s4], $0xC000  }
0x2e: {  	[sflag:s4] =	ssyncset.done $0x0  }
0x2f: {  	[sflag:s4] =	ssyncadd.s32 $0xFFFF4000  }
0x30: {  	_ =	swait.ge [sflag:s11], $0xC000  }
0x31: {  	[sflag:s11] =	ssyncset.done $0x0  }
0x32: {  	[sflag:s11] =	ssyncadd.s32 $0xFFFF4000  }
0x33: {  	_ =	swait.ge [sflag:s11], $0xC000  }
0x34: {  	[sflag:s11] =	ssyncset.done $0x0  }
0x35: {  	[sflag:s11] =	ssyncadd.s32 $0xFFFF4000  }
0x36: {  	_ =	swait.ge [sflag:s11], $0xC000  }
0x37: {  	[sflag:s11] =	ssyncset.done $0x0  }
0x38: {  	[sflag:s11] =	ssyncadd.s32 $0xFFFF4000  }
0x39: {  	_ =	swait.ge [sflag:s11], $0xC000  }
0x3a: {  	s23 =	sadd.s32 $0x4800, s18;
	[sflag:s11] =	ssyncset.done $0x0  }
0x3b: {  	s17 =	sadd.s32 s17, s23;
	[sflag:s11] =	ssyncadd.s32 $0xFFFF4000  }
0x3c: {  	[tilespmem:s6], [sflag:$0x1] =	stream.linear.gather [hbm4b:s17+s2], $0xC000, $0x38;
	[tilespmem:$0x18000] =	vst v63  }
0x3d: {  	s18 =	sadd.s32 s22, s19  }
0x3e: {  	[hbm4b:s18+s2] =	stream.linear.scatter [tilespmem:s2], [sflag:$0x2], $0xC000, $0x38;
	[tilespmem:$0x18000] =	vst v63  }
0x3f: {  	s19 =	sadd.s32 $0xC3000, s7  }
0x40: {  	[hbm4b:s19+s2] =	stream.linear.scatter [tilespmem:s2], [sflag:$0x2], $0xC000, $0x38;
	[tilespmem:$0x18000] =	vst v63  }
0x41: {  	s20 =	sadd.s32 $0x183000, s7  }
0x42: {  	[hbm4b:s20+s2] =	stream.linear.scatter [tilespmem:s2], [sflag:$0x2], $0xC000, $0x38;
	[tilespmem:$0x18000] =	vst v63  }
0x43: {  	s21 =	sadd.s32 $0x243000, s7  }
0x44: {  	[hbm4b:s21+s2] =	stream.linear.scatter [tilespmem:s2], [sflag:$0x2], $0xC000, $0x38;
	[tilespmem:$0x18000] =	vst v63  }
0x45: {  	_ =	swait.ge [sflag:s4], $0xC000  }
0x46: {  	[sflag:s4] =	ssyncset.done $0x0  }
0x47: {  	[sflag:s4] =	ssyncadd.s32 $0xFFFF4000  }
0x48: {  	_ =	swait.ge [sflag:s11], $0xC000  }
0x49: {  	[sflag:s11] =	ssyncset.done $0x0  }
0x4a: {  	[sflag:s11] =	ssyncadd.s32 $0xFFFF4000  }
0x4b: {  	_ =	swait.ge [sflag:s11], $0xC000  }
0x4c: {  	[sflag:s11] =	ssyncset.done $0x0  }
0x4d: {  	[sflag:s11] =	ssyncadd.s32 $0xFFFF4000  }
0x4e: {  	_ =	swait.ge [sflag:s11], $0xC000  }
0x4f: {  	[sflag:s11] =	ssyncset.done $0x0  }
0x50: {  	[sflag:s11] =	ssyncadd.s32 $0xFFFF4000  }
0x51: {  	_ =	swait.ge [sflag:s11], $0xC000  }
0x52: {  	[sflag:s11] =	ssyncset.done $0x0  }
0x53: {  	s22 =	sadd.s32 s22, s23;
	[sflag:s11] =	ssyncadd.s32 $0xFFFF4000  }
0x54: {  	[hbm4b:s22+s2] =	stream.linear.scatter [tilespmem:s6], [sflag:$0x2], $0xC000, $0x38;
	[tilespmem:$0x18000] =	vst v63  }
0x55: {  	s23 =	sadd.s32 $0xC4800, s7  }
0x56: {  	[hbm4b:s23+s2] =	stream.linear.scatter [tilespmem:s6], [sflag:$0x2], $0xC000, $0x38;
	[tilespmem:$0x18000] =	vst v63  }
0x57: {  	s24 =	sadd.s32 $0x184800, s7  }
0x58: {  	[hbm4b:s24+s2] =	stream.linear.scatter [tilespmem:s6], [sflag:$0x2], $0xC000, $0x38;
	[tilespmem:$0x18000] =	vst v63  }
0x59: {  	s25 =	sadd.s32 $0x244800, s7  }
0x5a: {  	[hbm4b:s25+s2] =	stream.linear.scatter [tilespmem:s6], [sflag:$0x2], $0xC000, $0x38;
	[tilespmem:$0x18000] =	vst v63  }
0x5b: {  	_ =	swait.ge [sflag:s11], $0xC000  }
0x5c: {  	s26 =	ssub.s32 $0x2, s26;
	[sflag:s11] =	ssyncset.done $0x0  }
0x5d: {  	s28 =	sshrl.u32 s26, $0x1;
	[sflag:s11] =	ssyncadd.s32 $0xFFFF4000  }
0x5e: {  	s26 =	ssub.s32 s26, s28;
	_ =	swait.ge [sflag:s11], $0xC000  }
0x5f: {  	s26 =	smax.u32 s26, $0x1;
	[sflag:s11] =	ssyncset.done $0x0  }
0x60: {  	p0 =	sne.s32 s26, $0x1;
	[sflag:s11] =	ssyncadd.s32 $0xFFFF4000  }
.Ltmp0:
0x61: {  	_ =	swait.ge [sflag:s11], $0xC000;
	(pc) =	sbr.rel @!p0 .LBB2_2-.Ltmp0, $4  }
0x62: {  	[sflag:s11] =	ssyncset.done $0x0  }
0x63: {  	[sflag:s11] =	ssyncadd.s32 $0xFFFF4000  }
0x64: {  	_ =	swait.ge [sflag:s11], $0xC000  }
0x65: {  	s26 =	sadd.s32 $0xFFFFFFFF, s26;
	[sflag:s11] =	ssyncset.done $0x0  }
.LBB2_1:
0x66: {  	p0 =	sne.s32 s26, $0x1;
	s26 =	sadd.s32 $0xFFFFFFFF, s26;
	[sflag:s11] =	ssyncadd.s32 $0xFFFF4000  }
0x67: {  	[tilespmem:s2], [sflag:$0x1] =	stream.linear.gather [hbm4b:s3+s2], $0xC000, $0x38;
	[tilespmem:$0x18000] =	vst v63  }
0x68: {  	_ =	swait.ge [sflag:s4], $0xC000  }
0x69: {  	[sflag:s4] =	ssyncset.done $0x0  }
0x6a: {  	[sflag:s4] =	ssyncadd.s32 $0xFFFF4000  }
0x6b: {  	[tilespmem:s6], [sflag:$0x1] =	stream.linear.gather [hbm4b:s5+s2], $0xC000, $0x38;
	[tilespmem:$0x18000] =	vst v63  }
0x6c: {  	_ = 	snop  }
0x6d: {  	[hbm4b:s7+s2] =	stream.linear.scatter [tilespmem:s2], [sflag:$0x2], $0xC000, $0x38;
	[tilespmem:$0x18000] =	vst v63  }
0x6e: {  	_ = 	snop  }
0x6f: {  	[hbm4b:s8+s2] =	stream.linear.scatter [tilespmem:s2], [sflag:$0x2], $0xC000, $0x38;
	[tilespmem:$0x18000] =	vst v63  }
0x70: {  	_ = 	snop  }
0x71: {  	[hbm4b:s9+s2] =	stream.linear.scatter [tilespmem:s2], [sflag:$0x2], $0xC000, $0x38;
	[tilespmem:$0x18000] =	vst v63  }
0x72: {  	_ = 	snop  }
0x73: {  	[hbm4b:s10+s2] =	stream.linear.scatter [tilespmem:s2], [sflag:$0x2], $0xC000, $0x38;
	[tilespmem:$0x18000] =	vst v63  }
0x74: {  	_ =	swait.ge [sflag:s4], $0xC000  }
0x75: {  	[sflag:s4] =	ssyncset.done $0x0  }
0x76: {  	[sflag:s4] =	ssyncadd.s32 $0xFFFF4000  }
0x77: {  	_ =	swait.ge [sflag:s11], $0xC000  }
0x78: {  	[sflag:s11] =	ssyncset.done $0x0  }
0x79: {  	[sflag:s11] =	ssyncadd.s32 $0xFFFF4000  }
0x7a: {  	_ =	swait.ge [sflag:s11], $0xC000  }
0x7b: {  	[sflag:s11] =	ssyncset.done $0x0  }
0x7c: {  	[sflag:s11] =	ssyncadd.s32 $0xFFFF4000  }
0x7d: {  	_ =	swait.ge [sflag:s11], $0xC000  }
0x7e: {  	[sflag:s11] =	ssyncset.done $0x0  }
0x7f: {  	[sflag:s11] =	ssyncadd.s32 $0xFFFF4000  }
0x80: {  	_ =	swait.ge [sflag:s11], $0xC000  }
0x81: {  	[sflag:s11] =	ssyncset.done $0x0  }
0x82: {  	[sflag:s11] =	ssyncadd.s32 $0xFFFF4000  }
0x83: {  	[tilespmem:s2], [sflag:$0x1] =	stream.linear.gather [hbm4b:s12+s2], $0xC000, $0x38;
	[tilespmem:$0x18000] =	vst v63  }
0x84: {  	_ = 	snop  }
0x85: {  	[hbm4b:s13+s2] =	stream.linear.scatter [tilespmem:s6], [sflag:$0x2], $0xC000, $0x38;
	[tilespmem:$0x18000] =	vst v63  }
0x86: {  	_ = 	snop  }
0x87: {  	[hbm4b:s14+s2] =	stream.linear.scatter [tilespmem:s6], [sflag:$0x2], $0xC000, $0x38;
	[tilespmem:$0x18000] =	vst v63  }
0x88: {  	_ = 	snop  }
0x89: {  	[hbm4b:s15+s2] =	stream.linear.scatter [tilespmem:s6], [sflag:$0x2], $0xC000, $0x38;
	[tilespmem:$0x18000] =	vst v63  }
0x8a: {  	_ = 	snop  }
0x8b: {  	[hbm4b:s16+s2] =	stream.linear.scatter [tilespmem:s6], [sflag:$0x2], $0xC000, $0x38;
	[tilespmem:$0x18000] =	vst v63  }
0x8c: {  	_ =	swait.ge [sflag:s4], $0xC000  }
0x8d: {  	[sflag:s4] =	ssyncset.done $0x0  }
0x8e: {  	[sflag:s4] =	ssyncadd.s32 $0xFFFF4000  }
0x8f: {  	_ =	swait.ge [sflag:s11], $0xC000  }
0x90: {  	[sflag:s11] =	ssyncset.done $0x0  }
0x91: {  	[sflag:s11] =	ssyncadd.s32 $0xFFFF4000  }
0x92: {  	_ =	swait.ge [sflag:s11], $0xC000  }
0x93: {  	[sflag:s11] =	ssyncset.done $0x0  }
0x94: {  	[sflag:s11] =	ssyncadd.s32 $0xFFFF4000  }
0x95: {  	_ =	swait.ge [sflag:s11], $0xC000  }
0x96: {  	[sflag:s11] =	ssyncset.done $0x0  }
0x97: {  	[sflag:s11] =	ssyncadd.s32 $0xFFFF4000  }
0x98: {  	_ =	swait.ge [sflag:s11], $0xC000  }
0x99: {  	[sflag:s11] =	ssyncset.done $0x0  }
0x9a: {  	[sflag:s11] =	ssyncadd.s32 $0xFFFF4000  }
0x9b: {  	[tilespmem:s6], [sflag:$0x1] =	stream.linear.gather [hbm4b:s17+s2], $0xC000, $0x38;
	[tilespmem:$0x18000] =	vst v63  }
0x9c: {  	_ = 	snop  }
0x9d: {  	[hbm4b:s18+s2] =	stream.linear.scatter [tilespmem:s2], [sflag:$0x2], $0xC000, $0x38;
	[tilespmem:$0x18000] =	vst v63  }
0x9e: {  	_ = 	snop  }
0x9f: {  	[hbm4b:s19+s2] =	stream.linear.scatter [tilespmem:s2], [sflag:$0x2], $0xC000, $0x38;
	[tilespmem:$0x18000] =	vst v63  }
0xa0: {  	_ = 	snop  }
0xa1: {  	[hbm4b:s20+s2] =	stream.linear.scatter [tilespmem:s2], [sflag:$0x2], $0xC000, $0x38;
	[tilespmem:$0x18000] =	vst v63  }
0xa2: {  	_ = 	snop  }
0xa3: {  	[hbm4b:s21+s2] =	stream.linear.scatter [tilespmem:s2], [sflag:$0x2], $0xC000, $0x38;
	[tilespmem:$0x18000] =	vst v63  }
0xa4: {  	_ =	swait.ge [sflag:s4], $0xC000  }
0xa5: {  	[sflag:s4] =	ssyncset.done $0x0  }
0xa6: {  	[sflag:s4] =	ssyncadd.s32 $0xFFFF4000  }
0xa7: {  	_ =	swait.ge [sflag:s11], $0xC000  }
0xa8: {  	[sflag:s11] =	ssyncset.done $0x0  }
0xa9: {  	[sflag:s11] =	ssyncadd.s32 $0xFFFF4000  }
0xaa: {  	_ =	swait.ge [sflag:s11], $0xC000  }
0xab: {  	[sflag:s11] =	ssyncset.done $0x0  }
0xac: {  	[sflag:s11] =	ssyncadd.s32 $0xFFFF4000  }
0xad: {  	_ =	swait.ge [sflag:s11], $0xC000  }
0xae: {  	[sflag:s11] =	ssyncset.done $0x0  }
0xaf: {  	[sflag:s11] =	ssyncadd.s32 $0xFFFF4000  }
0xb0: {  	_ =	swait.ge [sflag:s11], $0xC000  }
0xb1: {  	[sflag:s11] =	ssyncset.done $0x0  }
0xb2: {  	[sflag:s11] =	ssyncadd.s32 $0xFFFF4000  }
0xb3: {  	[hbm4b:s22+s2] =	stream.linear.scatter [tilespmem:s6], [sflag:$0x2], $0xC000, $0x38;
	[tilespmem:$0x18000] =	vst v63  }
0xb4: {  	_ = 	snop  }
0xb5: {  	[hbm4b:s23+s2] =	stream.linear.scatter [tilespmem:s6], [sflag:$0x2], $0xC000, $0x38;
	[tilespmem:$0x18000] =	vst v63  }
0xb6: {  	_ = 	snop  }
0xb7: {  	[hbm4b:s24+s2] =	stream.linear.scatter [tilespmem:s6], [sflag:$0x2], $0xC000, $0x38;
	[tilespmem:$0x18000] =	vst v63  }
0xb8: {  	_ = 	snop  }
0xb9: {  	[hbm4b:s25+s2] =	stream.linear.scatter [tilespmem:s6], [sflag:$0x2], $0xC000, $0x38;
	[tilespmem:$0x18000] =	vst v63  }
0xba: {  	_ =	swait.ge [sflag:s11], $0xC000  }
0xbb: {  	[sflag:s11] =	ssyncset.done $0x0  }
0xbc: {  	[sflag:s11] =	ssyncadd.s32 $0xFFFF4000  }
0xbd: {  	_ =	swait.ge [sflag:s11], $0xC000  }
0xbe: {  	[sflag:s11] =	ssyncset.done $0x0  }
0xbf: {  	[sflag:s11] =	ssyncadd.s32 $0xFFFF4000  }
.Ltmp1:
0xc0: {  	_ =	swait.ge [sflag:s11], $0xC000;
	(pc) =	sbr.rel @p0 .LBB2_1-.Ltmp1, $4  }
0xc1: {  	[sflag:s11] =	ssyncset.done $0x0  }
0xc2: {  	[sflag:s11] =	ssyncadd.s32 $0xFFFF4000  }
0xc3: {  	_ =	swait.ge [sflag:s11], $0xC000  }
0xc4: {  	[sflag:s11] =	ssyncset.done $0x0  }
.LBB2_2:
0xc5: {  	[sflag:s11] =	ssyncadd.s32 $0xFFFF4000  }
0xc6: {  	_ =	sfence.sel $0x180000  }
0xc7: {  	[bflag:$0x0] =	sbarrier.arrive $0xFFFF  }
0xc8: {  	p0 =	sne.s32 s0, $0x0;
	_ =	strace $0x90000047  }
0xc9: {  	s0 =	sadd.s32 @!p0 $0x100000, s1;
	[bflag:$0x2] =	sbarrier.arrive $0xFFFF  }
0xca: {  	[sflag:s0] =	ssyncadd.tile.s32 @!p0 $0x1;
	_ =	shalt  }
.Lfunc_end2:
_tile_overlayer_lowered:
.L_overlay_start_2:
0xcb: {  	(tag) =	ssettag $0x2  }
0xcc: {  	s0 =	rddreg [dreg:$0x0];
	s2 =	stileid.u32  }
0xcd: {  	s1 =	rddreg [dreg:$0x1];
	p0 =	sne.s32 s2, $0x0  }
0xce: {  	s3 =	rddreg [dreg:$0x2];
	[bflag:$0x3] =	sbarrier.arrive $0xFFFF;
	s2 =	simm.s32 @!p0 $0x1C03  }
0xcf: {  	[timem:s3], [sflag:s2] =	dma.local @!p0 [hbm:s0], s1  }
0xd0: {  	s0 =	simm.s32 @!p0 $0x3  }
0xd1: {  	_ =	swait.ge @!p0 [sflag:s0], s1  }
0xd2: {  	s1 =	ssub.s32 @!p0 $0x0, s1;
	[sflag:s0] =	ssyncset.done @!p0 $0x0  }
0xd3: {  	[sflag:s0] =	ssyncadd.s32 @!p0 s1  }
0xd4: {  	[bflag:$0x3] =	sbarrier.arrive $0xFFFF  }
0xd5: {  	_ =	shalt  }

</sc_bundles>
